<compile_context>
chip_gen: v7x
topology: tpu7x:2x2x1
jax: 0.10.2.dev20260603
libtpu: 0.0.44.dev20260713+nightly
codegen_flags: <defaults>
</compile_context>

<pallas_src>
import functools

import jax
import jax.numpy as jnp
from jax import lax
from jax.experimental import pallas as pl
from jax.experimental.pallas import tpu as pltpu
from jax.experimental.pallas import tpu_sc as plsc

N_NODES = 10000
N_EDGES = 320000
D_FEAT = 128
N_CORES = 2
N_SUBCORES = 16
NW = N_CORES * N_SUBCORES
EPT = N_EDGES // NW
CHUNK = 80
NCHUNK = EPT // CHUNK

_ROWS_PER_BLOCK = 2048
N_PAD = 10240


def _rowsum_body(x_ref, r_ref):
    r_ref[...] = jnp.sum(x_ref[...].T, axis=0)


def _rowsum(x):
    grid = N_PAD // _ROWS_PER_BLOCK
    return pl.pallas_call(
        _rowsum_body,
        grid=(grid,),
        in_specs=[pl.BlockSpec((_ROWS_PER_BLOCK, D_FEAT), lambda i: (i, 0))],
        out_specs=pl.BlockSpec((_ROWS_PER_BLOCK,), lambda i: (i,)),
        out_shape=jax.ShapeDtypeStruct((N_PAD,), jnp.float32),
    )(x)


def _sc_scatter(r, ei4, zeros):
    mesh = plsc.VectorSubcoreMesh(core_axis_name="c", subcore_axis_name="s")

    @functools.partial(
        pl.kernel,
        out_type=jax.ShapeDtypeStruct((N_CORES, N_NODES), jnp.float32),
        mesh=mesh,
        compiler_params=pltpu.CompilerParams(needs_layout_passes=False),
        scratch_types=[
            pltpu.VMEM((NCHUNK, CHUNK), jnp.int32),
            pltpu.VMEM((NCHUNK, CHUNK), jnp.int32),
            pltpu.VMEM((EPT,), jnp.float32),
            pltpu.VMEM((N_PAD,), jnp.float32),
            pltpu.VMEM_SHARED((N_NODES,), jnp.float32),
            pltpu.SemaphoreType.DMA,
            pltpu.SemaphoreType.DMA,
        ],
    )
    def scatter_kernel(r_hbm, ei_hbm, z_hbm, out_hbm,
                       src_v, dst_v, val_v, r_v, acc_sh, stsem, ssem):
        cid = lax.axis_index("c")
        sid = lax.axis_index("s")
        wid = sid * N_CORES + cid

        @pl.when(sid == 0)
        def _():
            pltpu.sync_copy(z_hbm, acc_sh)

        pltpu.async_copy(ei_hbm.at[0, wid], src_v, stsem)
        pltpu.async_copy(ei_hbm.at[1, wid], dst_v, stsem)
        pltpu.async_copy(r_hbm, r_v, stsem)
        pltpu.make_async_copy(ei_hbm.at[0, wid], src_v, stsem).wait()
        pltpu.make_async_copy(ei_hbm.at[1, wid], dst_v, stsem).wait()
        pltpu.make_async_copy(r_hbm, r_v, stsem).wait()
        plsc.subcore_barrier()

        def gather_scatter_window(j, carry):
            for k in range(CHUNK // 16):
                idx = src_v[j, pl.ds(k * 16, 16)]
                val_v[pl.ds(j * CHUNK + k * 16, 16)] = (
                    plsc.load_gather(r_v, [idx]))
            pltpu.async_copy(val_v.at[pl.ds(j * CHUNK, CHUNK)],
                             acc_sh.at[dst_v.at[j]], ssem, add=True)
            return carry

        lax.fori_loop(0, NCHUNK, gather_scatter_window, 0, unroll=2)

        def s_drain(j, carry):
            pltpu.make_async_copy(val_v.at[pl.ds(j * CHUNK, CHUNK)],
                                  acc_sh.at[dst_v.at[j]], ssem).wait()
            return carry

        lax.fori_loop(0, NCHUNK, s_drain, 0)
        plsc.subcore_barrier()

        @pl.when(sid == 0)
        def _():
            pltpu.sync_copy(acc_sh, out_hbm.at[cid])

    return scatter_kernel(r, ei4, zeros)


def _final_body(p_ref, o_ref):
    s = p_ref[0, :] + p_ref[1, :]
    t = jnp.where(s > 0, s, 0.1 * s)
    h = 16.0 * t
    u = jnp.where(h > 0, h, 0.1 * h)
    o_ref[...] = (10.0 * u).astype(jnp.int32)


def _finalize(parts):
    return pl.pallas_call(
        _final_body,
        out_shape=jax.ShapeDtypeStruct((N_NODES,), jnp.int32),
    )(parts)


def kernel(x, edge_index):
    ei4 = edge_index.astype(jnp.int32).reshape(2, NW, NCHUNK, CHUNK)
    zeros = jnp.zeros((N_NODES,), jnp.float32)
    r = _rowsum(x)
    parts = _sc_scatter(r, ei4, zeros)
    return _finalize(parts)

# --- scband reference (transcript-rebuilt; emitter-appended) ---
"""Pipeline reference for scband-emp-24395414241357 (READ-ONLY COPY).

The authoritative reference and input builder live on the scoring server;
editing this copy changes nothing except your own understanding.
"""

import jax, jax.numpy as jnp
import numpy as np

N_NODES = 10000
N_EDGES = 320000
D_FEAT = 128
HIDDEN_CHANNELS = 16
N_CLASSES = 10


def leaky_relu(h, alpha=0.1):
    return jnp.where(h > 0, h, alpha * h)


def setup_inputs(seed: int = 0) -> dict:
    key = jax.random.key(seed)
    k1, k2 = jax.random.split(key)
    x = jax.random.normal(k1, (N_NODES, D_FEAT), dtype=jnp.float32)
    edge_index = jax.random.randint(k2, (2, N_EDGES), 0, N_NODES, dtype=jnp.int64)
    return {"x": x, "edge_index": edge_index}


def reference(x, edge_index):
    # G_adj_p * feature_matrix: adjacency (from edge list) times features,
    # i.e. sum-aggregation of neighbor features via scatter-add (SparseCore gather/scatter).
    src = edge_index[0]
    dst = edge_index[1]
    msgs = x[src]  # gather
    agg = jnp.zeros_like(x).at[dst].add(msgs)  # scatter-add
    # x * ones(nc, hidden_channels): matmul with an all-ones weight matrix
    h = agg @ jnp.ones((D_FEAT, HIDDEN_CHANNELS), dtype=jnp.float32)
    # p.relu(x, 0.1): leaky relu with slope 0.1
    h = leaky_relu(h, 0.1)
    # x * ones(nc, n_classes)
    h = h @ jnp.ones((HIDDEN_CHANNELS, N_CLASSES), dtype=jnp.float32)
    h = leaky_relu(h, 0.1)
    # x * ones(nc, 1)
    h = h @ jnp.ones((N_CLASSES, 1), dtype=jnp.float32)
    # .int() then flatten
    out = h.astype(jnp.int32)
    out = jnp.reshape(out, (-1,))
    return out

if __name__ == "__main__":
    import jax
    _d = setup_inputs()
    print(jax.jit(kernel)(*tuple(_d.values())))

</pallas_src>

<mosaic_0001>
#map = affine_map<(d0, d1) -> (0)>
#map1 = affine_map<(d0, d1) -> (0, 0, 0, 0)>
#map2 = affine_map<(d0, d1) -> (0, 0)>
module attributes {stable_mosaic.version = 14 : i64} {
  func.func @scatter_kernel(%arg0: i32, %arg1: i32, %arg2: memref<10240xf32, #tpu.memory_space<hbm>>, %arg3: memref<2x32x125x80xi32, #tpu.memory_space<hbm>>, %arg4: memref<10000xf32, #tpu.memory_space<hbm>>, %arg5: memref<2x10000xf32, #tpu.memory_space<hbm>>, %arg6: memref<125x80xi32, #tpu.memory_space<vmem>>, %arg7: memref<125x80xi32, #tpu.memory_space<vmem>>, %arg8: memref<10000xf32, #tpu.memory_space<vmem>>, %arg9: memref<10240xf32, #tpu.memory_space<vmem>>, %arg10: memref<10000xf32, #tpu.memory_space<vmem_shared>>, %arg11: memref<!tpu.dma_semaphore, #tpu.memory_space<semaphore_mem>>, %arg12: memref<!tpu.dma_semaphore, #tpu.memory_space<semaphore_mem>>) attributes {dimension_semantics = [#tpu.dimension_semantics<core_parallel>, #tpu.dimension_semantics<subcore_parallel>], iteration_bounds = array<i64: 2, 16>, scalar_prefetch = 0 : i64, scratch_operands = 7 : i64, tpu.core_type = #tpu.core_type<sc_vector_subcore>, window_params = [{transform_indices = #map}, {transform_indices = #map1}, {transform_indices = #map}, {transform_indices = #map2}]} {
    %mul3A = arith.constant 2 : i32
    %mul3A_0 = arith.muli %arg1, %mul3A : i32
    %add3A = arith.addi %mul3A_0, %arg0 : i32
    %eq3A = arith.constant 0 : i32
    %eq3A_1 = arith.cmpi eq, %arg1, %eq3A : i32
    %convert_element_type3A = arith.extui %eq3A_1 : i1 to i32
    %cond3A = arith.constant 0 : i32
    %cond3A_2 = arith.cmpi ne, %convert_element_type3A, %cond3A : i32
    scf.if %cond3A_2 {
      "tpu.region"() ({
        %run_scoped3A = tpu.sem_alloc : memref<!tpu.dma_semaphore, #tpu.memory_space<semaphore_mem>>
        tpu.enqueue_dma source(%arg4 : memref<10000xf32, #tpu.memory_space<hbm>>) target(%arg10 : memref<10000xf32, #tpu.memory_space<vmem_shared>>) target_semaphore(%run_scoped3A : memref<!tpu.dma_semaphore, #tpu.memory_space<semaphore_mem>>)
        tpu.wait_dma2 semaphore(%run_scoped3A : memref<!tpu.dma_semaphore, #tpu.memory_space<semaphore_mem>>) src(%arg4 : memref<10000xf32, #tpu.memory_space<hbm>>) dst(%arg10 : memref<10000xf32, #tpu.memory_space<vmem_shared>>)
        tpu.yield
      }) : () -> ()
    } else {
    }
    %dma_start3A = arith.constant 0 : i32
    %dma_start3A_3 = arith.constant 0 : i32
    %dma_start3A_4 = arith.constant 0 : i32
    %dma_start3A_5 = tpu.memref_slice %arg3[%dma_start3A, %add3A, %dma_start3A_3, %dma_start3A_4] : memref<2x32x125x80xi32, #tpu.memory_space<hbm>> -> memref<1x1x125x80xi32, #tpu.memory_space<hbm>>
    %dma_start3A_6 = tpu.memref_squeeze %dma_start3A_5 : memref<1x1x125x80xi32, #tpu.memory_space<hbm>> -> memref<125x80xi32, #tpu.memory_space<hbm>>
    %dma_start3A_7 = arith.constant 0 : i32
    %dma_start3A_8 = arith.constant 0 : i32
    %dma_start3A_9 = tpu.memref_slice %arg3[%dma_start3A, %add3A, %dma_start3A_7, %dma_start3A_8] : memref<2x32x125x80xi32, #tpu.memory_space<hbm>> -> memref<1x1x125x80xi32, #tpu.memory_space<hbm>>
    %dma_start3A_10 = tpu.memref_squeeze %dma_start3A_9 : memref<1x1x125x80xi32, #tpu.memory_space<hbm>> -> memref<125x80xi32, #tpu.memory_space<hbm>>
    tpu.enqueue_dma source(%dma_start3A_10 : memref<125x80xi32, #tpu.memory_space<hbm>>) target(%arg6 : memref<125x80xi32, #tpu.memory_space<vmem>>) target_semaphore(%arg11 : memref<!tpu.dma_semaphore, #tpu.memory_space<semaphore_mem>>)
    %dma_start3A_11 = arith.constant 1 : i32
    %dma_start3A_12 = arith.constant 0 : i32
    %dma_start3A_13 = arith.constant 0 : i32
    %dma_start3A_14 = tpu.memref_slice %arg3[%dma_start3A_11, %add3A, %dma_start3A_12, %dma_start3A_13] : memref<2x32x125x80xi32, #tpu.memory_space<hbm>> -> memref<1x1x125x80xi32, #tpu.memory_space<hbm>>
    %dma_start3A_15 = tpu.memref_squeeze %dma_start3A_14 : memref<1x1x125x80xi32, #tpu.memory_space<hbm>> -> memref<125x80xi32, #tpu.memory_space<hbm>>
    %dma_start3A_16 = arith.constant 0 : i32
    %dma_start3A_17 = arith.constant 0 : i32
    %dma_start3A_18 = tpu.memref_slice %arg3[%dma_start3A_11, %add3A, %dma_start3A_16, %dma_start3A_17] : memref<2x32x125x80xi32, #tpu.memory_space<hbm>> -> memref<1x1x125x80xi32, #tpu.memory_space<hbm>>
    %dma_start3A_19 = tpu.memref_squeeze %dma_start3A_18 : memref<1x1x125x80xi32, #tpu.memory_space<hbm>> -> memref<125x80xi32, #tpu.memory_space<hbm>>
    tpu.enqueue_dma source(%dma_start3A_19 : memref<125x80xi32, #tpu.memory_space<hbm>>) target(%arg7 : memref<125x80xi32, #tpu.memory_space<vmem>>) target_semaphore(%arg11 : memref<!tpu.dma_semaphore, #tpu.memory_space<semaphore_mem>>)
    tpu.enqueue_dma source(%arg2 : memref<10240xf32, #tpu.memory_space<hbm>>) target(%arg9 : memref<10240xf32, #tpu.memory_space<vmem>>) target_semaphore(%arg11 : memref<!tpu.dma_semaphore, #tpu.memory_space<semaphore_mem>>)
    %dma_wait3A = arith.constant 0 : i32
    %dma_wait3A_20 = arith.constant 0 : i32
    %dma_wait3A_21 = arith.constant 0 : i32
    %dma_wait3A_22 = tpu.memref_slice %arg3[%dma_wait3A, %add3A, %dma_wait3A_20, %dma_wait3A_21] : memref<2x32x125x80xi32, #tpu.memory_space<hbm>> -> memref<1x1x125x80xi32, #tpu.memory_space<hbm>>
    %dma_wait3A_23 = tpu.memref_squeeze %dma_wait3A_22 : memref<1x1x125x80xi32, #tpu.memory_space<hbm>> -> memref<125x80xi32, #tpu.memory_space<hbm>>
    %dma_wait3A_24 = arith.constant 0 : i32
    %dma_wait3A_25 = arith.constant 0 : i32
    %dma_wait3A_26 = tpu.memref_slice %arg3[%dma_wait3A, %add3A, %dma_wait3A_24, %dma_wait3A_25] : memref<2x32x125x80xi32, #tpu.memory_space<hbm>> -> memref<1x1x125x80xi32, #tpu.memory_space<hbm>>
    %dma_wait3A_27 = tpu.memref_squeeze %dma_wait3A_26 : memref<1x1x125x80xi32, #tpu.memory_space<hbm>> -> memref<125x80xi32, #tpu.memory_space<hbm>>
    tpu.wait_dma2 semaphore(%arg11 : memref<!tpu.dma_semaphore, #tpu.memory_space<semaphore_mem>>) src(%dma_wait3A_27 : memref<125x80xi32, #tpu.memory_space<hbm>>) dst(%arg6 : memref<125x80xi32, #tpu.memory_space<vmem>>)
    %dma_wait3A_28 = arith.constant 1 : i32
    %dma_wait3A_29 = arith.constant 0 : i32
    %dma_wait3A_30 = arith.constant 0 : i32
    %dma_wait3A_31 = tpu.memref_slice %arg3[%dma_wait3A_28, %add3A, %dma_wait3A_29, %dma_wait3A_30] : memref<2x32x125x80xi32, #tpu.memory_space<hbm>> -> memref<1x1x125x80xi32, #tpu.memory_space<hbm>>
    %dma_wait3A_32 = tpu.memref_squeeze %dma_wait3A_31 : memref<1x1x125x80xi32, #tpu.memory_space<hbm>> -> memref<125x80xi32, #tpu.memory_space<hbm>>
    %dma_wait3A_33 = arith.constant 0 : i32
    %dma_wait3A_34 = arith.constant 0 : i32
    %dma_wait3A_35 = tpu.memref_slice %arg3[%dma_wait3A_28, %add3A, %dma_wait3A_33, %dma_wait3A_34] : memref<2x32x125x80xi32, #tpu.memory_space<hbm>> -> memref<1x1x125x80xi32, #tpu.memory_space<hbm>>
    %dma_wait3A_36 = tpu.memref_squeeze %dma_wait3A_35 : memref<1x1x125x80xi32, #tpu.memory_space<hbm>> -> memref<125x80xi32, #tpu.memory_space<hbm>>
    tpu.wait_dma2 semaphore(%arg11 : memref<!tpu.dma_semaphore, #tpu.memory_space<semaphore_mem>>) src(%dma_wait3A_36 : memref<125x80xi32, #tpu.memory_space<hbm>>) dst(%arg7 : memref<125x80xi32, #tpu.memory_space<vmem>>)
    tpu.wait_dma2 semaphore(%arg11 : memref<!tpu.dma_semaphore, #tpu.memory_space<semaphore_mem>>) src(%arg2 : memref<10240xf32, #tpu.memory_space<hbm>>) dst(%arg9 : memref<10240xf32, #tpu.memory_space<vmem>>)
    %barrier3A = arith.constant 0 : index
    tpu.barrier barrier_id(%barrier3A)
    %scan3A = arith.constant 0 : i32
    %scan3A_37 = arith.constant 0 : i32
    %scan3A_38 = arith.constant 124 : i32
    %scan3A_39 = arith.addi %scan3A_37, %scan3A_38 : i32
    %scan3A_40 = arith.constant 2 : i32
    scf.for %scan3A_111 = %scan3A_37 to %scan3A_39 step %scan3A_40  : i32 {
      %get3A_112 = arith.index_cast %scan3A_111 : i32 to index
      %get3A_113 = arith.constant 0 : index
      %get3A_114 = tpu.vector_load %arg6[%get3A_112, %get3A_113] {strides = array<i32>} : memref<125x80xi32, #tpu.memory_space<vmem>>, vector<16xi32>,
      %gather3A_115 = tpu.vector_load_idx %arg9[%get3A_114] : memref<10240xf32, #tpu.memory_space<vmem>>[vector<16xi32>], vector<16xf32>,
      %mul3A_116 = arith.constant 80 : i32
      %mul3A_117 = arith.muli %scan3A_111, %mul3A_116 : i32
      %add3A_118 = arith.constant 0 : i32
      %add3A_119 = arith.addi %mul3A_117, %add3A_118 : i32
      %swap3A_120 = arith.index_cast %add3A_119 : i32 to index
      %swap3A_121 = tpu.vector_load %arg8[%swap3A_120] {strides = array<i32>} : memref<10000xf32, #tpu.memory_space<vmem>>, vector<16xf32>,
      tpu.vector_store %arg8[%swap3A_120], %gather3A_115 {strides = array<i32>} : memref<10000xf32, #tpu.memory_space<vmem>>, vector<16xf32>,
      %get3A_122 = arith.index_cast %scan3A_111 : i32 to index
      %get3A_123 = arith.constant 16 : index
      %get3A_124 = tpu.vector_load %arg6[%get3A_122, %get3A_123] {strides = array<i32>} : memref<125x80xi32, #tpu.memory_space<vmem>>, vector<16xi32>,
      %gather3A_125 = tpu.vector_load_idx %arg9[%get3A_124] : memref<10240xf32, #tpu.memory_space<vmem>>[vector<16xi32>], vector<16xf32>,
      %mul3A_126 = arith.constant 80 : i32
      %mul3A_127 = arith.muli %scan3A_111, %mul3A_126 : i32
      %add3A_128 = arith.constant 16 : i32
      %add3A_129 = arith.addi %mul3A_127, %add3A_128 : i32
      %swap3A_130 = arith.index_cast %add3A_129 : i32 to index
      %swap3A_131 = tpu.vector_load %arg8[%swap3A_130] {strides = array<i32>} : memref<10000xf32, #tpu.memory_space<vmem>>, vector<16xf32>,
      tpu.vector_store %arg8[%swap3A_130], %gather3A_125 {strides = array<i32>} : memref<10000xf32, #tpu.memory_space<vmem>>, vector<16xf32>,
      %get3A_132 = arith.index_cast %scan3A_111 : i32 to index
      %get3A_133 = arith.constant 32 : index
      %get3A_134 = tpu.vector_load %arg6[%get3A_132, %get3A_133] {strides = array<i32>} : memref<125x80xi32, #tpu.memory_space<vmem>>, vector<16xi32>,
      %gather3A_135 = tpu.vector_load_idx %arg9[%get3A_134] : memref<10240xf32, #tpu.memory_space<vmem>>[vector<16xi32>], vector<16xf32>,
      %mul3A_136 = arith.constant 80 : i32
      %mul3A_137 = arith.muli %scan3A_111, %mul3A_136 : i32
      %add3A_138 = arith.constant 32 : i32
      %add3A_139 = arith.addi %mul3A_137, %add3A_138 : i32
      %swap3A_140 = arith.index_cast %add3A_139 : i32 to index
      %swap3A_141 = tpu.vector_load %arg8[%swap3A_140] {strides = array<i32>} : memref<10000xf32, #tpu.memory_space<vmem>>, vector<16xf32>,
      tpu.vector_store %arg8[%swap3A_140], %gather3A_135 {strides = array<i32>} : memref<10000xf32, #tpu.memory_space<vmem>>, vector<16xf32>,
      %get3A_142 = arith.index_cast %scan3A_111 : i32 to index
      %get3A_143 = arith.constant 48 : index
      %get3A_144 = tpu.vector_load %arg6[%get3A_142, %get3A_143] {strides = array<i32>} : memref<125x80xi32, #tpu.memory_space<vmem>>, vector<16xi32>,
      %gather3A_145 = tpu.vector_load_idx %arg9[%get3A_144] : memref<10240xf32, #tpu.memory_space<vmem>>[vector<16xi32>], vector<16xf32>,
      %mul3A_146 = arith.constant 80 : i32
      %mul3A_147 = arith.muli %scan3A_111, %mul3A_146 : i32
      %add3A_148 = arith.constant 48 : i32
      %add3A_149 = arith.addi %mul3A_147, %add3A_148 : i32
      %swap3A_150 = arith.index_cast %add3A_149 : i32 to index
      %swap3A_151 = tpu.vector_load %arg8[%swap3A_150] {strides = array<i32>} : memref<10000xf32, #tpu.memory_space<vmem>>, vector<16xf32>,
      tpu.vector_store %arg8[%swap3A_150], %gather3A_145 {strides = array<i32>} : memref<10000xf32, #tpu.memory_space<vmem>>, vector<16xf32>,
      %get3A_152 = arith.index_cast %scan3A_111 : i32 to index
      %get3A_153 = arith.constant 64 : index
      %get3A_154 = tpu.vector_load %arg6[%get3A_152, %get3A_153] {strides = array<i32>} : memref<125x80xi32, #tpu.memory_space<vmem>>, vector<16xi32>,
      %gather3A_155 = tpu.vector_load_idx %arg9[%get3A_154] : memref<10240xf32, #tpu.memory_space<vmem>>[vector<16xi32>], vector<16xf32>,
      %mul3A_156 = arith.constant 80 : i32
      %mul3A_157 = arith.muli %scan3A_111, %mul3A_156 : i32
      %add3A_158 = arith.constant 64 : i32
      %add3A_159 = arith.addi %mul3A_157, %add3A_158 : i32
      %swap3A_160 = arith.index_cast %add3A_159 : i32 to index
      %swap3A_161 = tpu.vector_load %arg8[%swap3A_160] {strides = array<i32>} : memref<10000xf32, #tpu.memory_space<vmem>>, vector<16xf32>,
      tpu.vector_store %arg8[%swap3A_160], %gather3A_155 {strides = array<i32>} : memref<10000xf32, #tpu.memory_space<vmem>>, vector<16xf32>,
      %mul3A_162 = arith.constant 80 : i32
      %mul3A_163 = arith.muli %scan3A_111, %mul3A_162 : i32
      %dma_start3A_164 = tpu.memref_slice %arg8[%mul3A_163] : memref<10000xf32, #tpu.memory_space<vmem>> -> memref<80xf32, #tpu.memory_space<vmem>>
      %dma_start3A_165 = arith.constant 0 : i32
      %dma_start3A_166 = tpu.memref_slice %arg7[%scan3A_111, %dma_start3A_165] : memref<125x80xi32, #tpu.memory_space<vmem>> -> memref<1x80xi32, #tpu.memory_space<vmem>>
      %dma_start3A_167 = tpu.memref_squeeze %dma_start3A_166 : memref<1x80xi32, #tpu.memory_space<vmem>> -> memref<80xi32, #tpu.memory_space<vmem>>
      %dma_start3A_168 = arith.constant 0 : i32
      %dma_start3A_169 = tpu.memref_slice %arg10[%dma_start3A_168] : memref<10000xf32, #tpu.memory_space<vmem_shared>> -> memref<10000xf32, #tpu.memory_space<vmem_shared>>
      tpu.enqueue_indirect_dma source(%dma_start3A_164 : memref<80xf32, #tpu.memory_space<vmem>>) target(%dma_start3A_169 : memref<10000xf32, #tpu.memory_space<vmem_shared>>) offsets(%dma_start3A_167 : memref<80xi32, #tpu.memory_space<vmem>>) semaphore(%arg12 : memref<!tpu.dma_semaphore, #tpu.memory_space<semaphore_mem>>) {add = true}
      %scan3A_170 = arith.constant 1 : i32
      %scan3A_171 = arith.addi %scan3A_111, %scan3A_170 : i32
      %get3A_172 = arith.index_cast %scan3A_171 : i32 to index
      %get3A_173 = arith.constant 0 : index
      %get3A_174 = tpu.vector_load %arg6[%get3A_172, %get3A_173] {strides = array<i32>} : memref<125x80xi32, #tpu.memory_space<vmem>>, vector<16xi32>,
      %gather3A_175 = tpu.vector_load_idx %arg9[%get3A_174] : memref<10240xf32, #tpu.memory_space<vmem>>[vector<16xi32>], vector<16xf32>,
      %mul3A_176 = arith.constant 80 : i32
      %mul3A_177 = arith.muli %scan3A_171, %mul3A_176 : i32
      %add3A_178 = arith.constant 0 : i32
      %add3A_179 = arith.addi %mul3A_177, %add3A_178 : i32
      %swap3A_180 = arith.index_cast %add3A_179 : i32 to index
      %swap3A_181 = tpu.vector_load %arg8[%swap3A_180] {strides = array<i32>} : memref<10000xf32, #tpu.memory_space<vmem>>, vector<16xf32>,
      tpu.vector_store %arg8[%swap3A_180], %gather3A_175 {strides = array<i32>} : memref<10000xf32, #tpu.memory_space<vmem>>, vector<16xf32>,
      %get3A_182 = arith.index_cast %scan3A_171 : i32 to index
      %get3A_183 = arith.constant 16 : index
      %get3A_184 = tpu.vector_load %arg6[%get3A_182, %get3A_183] {strides = array<i32>} : memref<125x80xi32, #tpu.memory_space<vmem>>, vector<16xi32>,
      %gather3A_185 = tpu.vector_load_idx %arg9[%get3A_184] : memref<10240xf32, #tpu.memory_space<vmem>>[vector<16xi32>], vector<16xf32>,
      %mul3A_186 = arith.constant 80 : i32
      %mul3A_187 = arith.muli %scan3A_171, %mul3A_186 : i32
      %add3A_188 = arith.constant 16 : i32
      %add3A_189 = arith.addi %mul3A_187, %add3A_188 : i32
      %swap3A_190 = arith.index_cast %add3A_189 : i32 to index
      %swap3A_191 = tpu.vector_load %arg8[%swap3A_190] {strides = array<i32>} : memref<10000xf32, #tpu.memory_space<vmem>>, vector<16xf32>,
      tpu.vector_store %arg8[%swap3A_190], %gather3A_185 {strides = array<i32>} : memref<10000xf32, #tpu.memory_space<vmem>>, vector<16xf32>,
      %get3A_192 = arith.index_cast %scan3A_171 : i32 to index
      %get3A_193 = arith.constant 32 : index
      %get3A_194 = tpu.vector_load %arg6[%get3A_192, %get3A_193] {strides = array<i32>} : memref<125x80xi32, #tpu.memory_space<vmem>>, vector<16xi32>,
      %gather3A_195 = tpu.vector_load_idx %arg9[%get3A_194] : memref<10240xf32, #tpu.memory_space<vmem>>[vector<16xi32>], vector<16xf32>,
      %mul3A_196 = arith.constant 80 : i32
      %mul3A_197 = arith.muli %scan3A_171, %mul3A_196 : i32
      %add3A_198 = arith.constant 32 : i32
      %add3A_199 = arith.addi %mul3A_197, %add3A_198 : i32
      %swap3A_200 = arith.index_cast %add3A_199 : i32 to index
      %swap3A_201 = tpu.vector_load %arg8[%swap3A_200] {strides = array<i32>} : memref<10000xf32, #tpu.memory_space<vmem>>, vector<16xf32>,
      tpu.vector_store %arg8[%swap3A_200], %gather3A_195 {strides = array<i32>} : memref<10000xf32, #tpu.memory_space<vmem>>, vector<16xf32>,
      %get3A_202 = arith.index_cast %scan3A_171 : i32 to index
      %get3A_203 = arith.constant 48 : index
      %get3A_204 = tpu.vector_load %arg6[%get3A_202, %get3A_203] {strides = array<i32>} : memref<125x80xi32, #tpu.memory_space<vmem>>, vector<16xi32>,
      %gather3A_205 = tpu.vector_load_idx %arg9[%get3A_204] : memref<10240xf32, #tpu.memory_space<vmem>>[vector<16xi32>], vector<16xf32>,
      %mul3A_206 = arith.constant 80 : i32
      %mul3A_207 = arith.muli %scan3A_171, %mul3A_206 : i32
      %add3A_208 = arith.constant 48 : i32
      %add3A_209 = arith.addi %mul3A_207, %add3A_208 : i32
      %swap3A_210 = arith.index_cast %add3A_209 : i32 to index
      %swap3A_211 = tpu.vector_load %arg8[%swap3A_210] {strides = array<i32>} : memref<10000xf32, #tpu.memory_space<vmem>>, vector<16xf32>,
      tpu.vector_store %arg8[%swap3A_210], %gather3A_205 {strides = array<i32>} : memref<10000xf32, #tpu.memory_space<vmem>>, vector<16xf32>,
      %get3A_212 = arith.index_cast %scan3A_171 : i32 to index
      %get3A_213 = arith.constant 64 : index
      %get3A_214 = tpu.vector_load %arg6[%get3A_212, %get3A_213] {strides = array<i32>} : memref<125x80xi32, #tpu.memory_space<vmem>>, vector<16xi32>,
      %gather3A_215 = tpu.vector_load_idx %arg9[%get3A_214] : memref<10240xf32, #tpu.memory_space<vmem>>[vector<16xi32>], vector<16xf32>,
      %mul3A_216 = arith.constant 80 : i32
      %mul3A_217 = arith.muli %scan3A_171, %mul3A_216 : i32
      %add3A_218 = arith.constant 64 : i32
      %add3A_219 = arith.addi %mul3A_217, %add3A_218 : i32
      %swap3A_220 = arith.index_cast %add3A_219 : i32 to index
      %swap3A_221 = tpu.vector_load %arg8[%swap3A_220] {strides = array<i32>} : memref<10000xf32, #tpu.memory_space<vmem>>, vector<16xf32>,
      tpu.vector_store %arg8[%swap3A_220], %gather3A_215 {strides = array<i32>} : memref<10000xf32, #tpu.memory_space<vmem>>, vector<16xf32>,
      %mul3A_222 = arith.constant 80 : i32
      %mul3A_223 = arith.muli %scan3A_171, %mul3A_222 : i32
      %dma_start3A_224 = tpu.memref_slice %arg8[%mul3A_223] : memref<10000xf32, #tpu.memory_space<vmem>> -> memref<80xf32, #tpu.memory_space<vmem>>
      %dma_start3A_225 = arith.constant 0 : i32
      %dma_start3A_226 = tpu.memref_slice %arg7[%scan3A_171, %dma_start3A_225] : memref<125x80xi32, #tpu.memory_space<vmem>> -> memref<1x80xi32, #tpu.memory_space<vmem>>
      %dma_start3A_227 = tpu.memref_squeeze %dma_start3A_226 : memref<1x80xi32, #tpu.memory_space<vmem>> -> memref<80xi32, #tpu.memory_space<vmem>>
      %dma_start3A_228 = arith.constant 0 : i32
      %dma_start3A_229 = tpu.memref_slice %arg10[%dma_start3A_228] : memref<10000xf32, #tpu.memory_space<vmem_shared>> -> memref<10000xf32, #tpu.memory_space<vmem_shared>>
      tpu.enqueue_indirect_dma source(%dma_start3A_224 : memref<80xf32, #tpu.memory_space<vmem>>) target(%dma_start3A_229 : memref<10000xf32, #tpu.memory_space<vmem_shared>>) offsets(%dma_start3A_227 : memref<80xi32, #tpu.memory_space<vmem>>) semaphore(%arg12 : memref<!tpu.dma_semaphore, #tpu.memory_space<semaphore_mem>>) {add = true}
    }
    %scan3A_41 = arith.constant 124 : i32
    %scan3A_42 = arith.addi %scan3A_37, %scan3A_41 : i32
    %get3A = arith.index_cast %scan3A_42 : i32 to index
    %get3A_43 = arith.constant 0 : index
    %get3A_44 = tpu.vector_load %arg6[%get3A, %get3A_43] {strides = array<i32>} : memref<125x80xi32, #tpu.memory_space<vmem>>, vector<16xi32>,
    %gather3A = tpu.vector_load_idx %arg9[%get3A_44] : memref<10240xf32, #tpu.memory_space<vmem>>[vector<16xi32>], vector<16xf32>,
    %mul3A_45 = arith.constant 80 : i32
    %mul3A_46 = arith.muli %scan3A_42, %mul3A_45 : i32
    %add3A_47 = arith.constant 0 : i32
    %add3A_48 = arith.addi %mul3A_46, %add3A_47 : i32
    %swap3A = arith.index_cast %add3A_48 : i32 to index
    %swap3A_49 = tpu.vector_load %arg8[%swap3A] {strides = array<i32>} : memref<10000xf32, #tpu.memory_space<vmem>>, vector<16xf32>,
    tpu.vector_store %arg8[%swap3A], %gather3A {strides = array<i32>} : memref<10000xf32, #tpu.memory_space<vmem>>, vector<16xf32>,
    %get3A_50 = arith.index_cast %scan3A_42 : i32 to index
    %get3A_51 = arith.constant 16 : index
    %get3A_52 = tpu.vector_load %arg6[%get3A_50, %get3A_51] {strides = array<i32>} : memref<125x80xi32, #tpu.memory_space<vmem>>, vector<16xi32>,
    %gather3A_53 = tpu.vector_load_idx %arg9[%get3A_52] : memref<10240xf32, #tpu.memory_space<vmem>>[vector<16xi32>], vector<16xf32>,
    %mul3A_54 = arith.constant 80 : i32
    %mul3A_55 = arith.muli %scan3A_42, %mul3A_54 : i32
    %add3A_56 = arith.constant 16 : i32
    %add3A_57 = arith.addi %mul3A_55, %add3A_56 : i32
    %swap3A_58 = arith.index_cast %add3A_57 : i32 to index
    %swap3A_59 = tpu.vector_load %arg8[%swap3A_58] {strides = array<i32>} : memref<10000xf32, #tpu.memory_space<vmem>>, vector<16xf32>,
    tpu.vector_store %arg8[%swap3A_58], %gather3A_53 {strides = array<i32>} : memref<10000xf32, #tpu.memory_space<vmem>>, vector<16xf32>,
    %get3A_60 = arith.index_cast %scan3A_42 : i32 to index
    %get3A_61 = arith.constant 32 : index
    %get3A_62 = tpu.vector_load %arg6[%get3A_60, %get3A_61] {strides = array<i32>} : memref<125x80xi32, #tpu.memory_space<vmem>>, vector<16xi32>,
    %gather3A_63 = tpu.vector_load_idx %arg9[%get3A_62] : memref<10240xf32, #tpu.memory_space<vmem>>[vector<16xi32>], vector<16xf32>,
    %mul3A_64 = arith.constant 80 : i32
    %mul3A_65 = arith.muli %scan3A_42, %mul3A_64 : i32
    %add3A_66 = arith.constant 32 : i32
    %add3A_67 = arith.addi %mul3A_65, %add3A_66 : i32
    %swap3A_68 = arith.index_cast %add3A_67 : i32 to index
    %swap3A_69 = tpu.vector_load %arg8[%swap3A_68] {strides = array<i32>} : memref<10000xf32, #tpu.memory_space<vmem>>, vector<16xf32>,
    tpu.vector_store %arg8[%swap3A_68], %gather3A_63 {strides = array<i32>} : memref<10000xf32, #tpu.memory_space<vmem>>, vector<16xf32>,
    %get3A_70 = arith.index_cast %scan3A_42 : i32 to index
    %get3A_71 = arith.constant 48 : index
    %get3A_72 = tpu.vector_load %arg6[%get3A_70, %get3A_71] {strides = array<i32>} : memref<125x80xi32, #tpu.memory_space<vmem>>, vector<16xi32>,
    %gather3A_73 = tpu.vector_load_idx %arg9[%get3A_72] : memref<10240xf32, #tpu.memory_space<vmem>>[vector<16xi32>], vector<16xf32>,
    %mul3A_74 = arith.constant 80 : i32
    %mul3A_75 = arith.muli %scan3A_42, %mul3A_74 : i32
    %add3A_76 = arith.constant 48 : i32
    %add3A_77 = arith.addi %mul3A_75, %add3A_76 : i32
    %swap3A_78 = arith.index_cast %add3A_77 : i32 to index
    %swap3A_79 = tpu.vector_load %arg8[%swap3A_78] {strides = array<i32>} : memref<10000xf32, #tpu.memory_space<vmem>>, vector<16xf32>,
    tpu.vector_store %arg8[%swap3A_78], %gather3A_73 {strides = array<i32>} : memref<10000xf32, #tpu.memory_space<vmem>>, vector<16xf32>,
    %get3A_80 = arith.index_cast %scan3A_42 : i32 to index
    %get3A_81 = arith.constant 64 : index
    %get3A_82 = tpu.vector_load %arg6[%get3A_80, %get3A_81] {strides = array<i32>} : memref<125x80xi32, #tpu.memory_space<vmem>>, vector<16xi32>,
    %gather3A_83 = tpu.vector_load_idx %arg9[%get3A_82] : memref<10240xf32, #tpu.memory_space<vmem>>[vector<16xi32>], vector<16xf32>,
    %mul3A_84 = arith.constant 80 : i32
    %mul3A_85 = arith.muli %scan3A_42, %mul3A_84 : i32
    %add3A_86 = arith.constant 64 : i32
    %add3A_87 = arith.addi %mul3A_85, %add3A_86 : i32
    %swap3A_88 = arith.index_cast %add3A_87 : i32 to index
    %swap3A_89 = tpu.vector_load %arg8[%swap3A_88] {strides = array<i32>} : memref<10000xf32, #tpu.memory_space<vmem>>, vector<16xf32>,
    tpu.vector_store %arg8[%swap3A_88], %gather3A_83 {strides = array<i32>} : memref<10000xf32, #tpu.memory_space<vmem>>, vector<16xf32>,
    %mul3A_90 = arith.constant 80 : i32
    %mul3A_91 = arith.muli %scan3A_42, %mul3A_90 : i32
    %dma_start3A_92 = tpu.memref_slice %arg8[%mul3A_91] : memref<10000xf32, #tpu.memory_space<vmem>> -> memref<80xf32, #tpu.memory_space<vmem>>
    %dma_start3A_93 = arith.constant 0 : i32
    %dma_start3A_94 = tpu.memref_slice %arg7[%scan3A_42, %dma_start3A_93] : memref<125x80xi32, #tpu.memory_space<vmem>> -> memref<1x80xi32, #tpu.memory_space<vmem>>
    %dma_start3A_95 = tpu.memref_squeeze %dma_start3A_94 : memref<1x80xi32, #tpu.memory_space<vmem>> -> memref<80xi32, #tpu.memory_space<vmem>>
    %dma_start3A_96 = arith.constant 0 : i32
    %dma_start3A_97 = tpu.memref_slice %arg10[%dma_start3A_96] : memref<10000xf32, #tpu.memory_space<vmem_shared>> -> memref<10000xf32, #tpu.memory_space<vmem_shared>>
    tpu.enqueue_indirect_dma source(%dma_start3A_92 : memref<80xf32, #tpu.memory_space<vmem>>) target(%dma_start3A_97 : memref<10000xf32, #tpu.memory_space<vmem_shared>>) offsets(%dma_start3A_95 : memref<80xi32, #tpu.memory_space<vmem>>) semaphore(%arg12 : memref<!tpu.dma_semaphore, #tpu.memory_space<semaphore_mem>>) {add = true}
    %scan3A_98 = arith.constant 125 : i32
    %scan3A_99 = arith.constant 0 : i32
    %scan3A_100 = arith.constant 0 : i32
    %scan3A_101 = arith.constant 125 : i32
    %scan3A_102 = arith.addi %scan3A_100, %scan3A_101 : i32
    %scan3A_103 = arith.constant 1 : i32
    scf.for %scan3A_111 = %scan3A_100 to %scan3A_102 step %scan3A_103  : i32 {
      %mul3A_112 = arith.constant 80 : i32
      %mul3A_113 = arith.muli %scan3A_111, %mul3A_112 : i32
      %dma_wait3A_114 = tpu.memref_slice %arg8[%mul3A_113] : memref<10000xf32, #tpu.memory_space<vmem>> -> memref<80xf32, #tpu.memory_space<vmem>>
      %dma_wait3A_115 = arith.constant 0 : i32
      %dma_wait3A_116 = tpu.memref_slice %arg7[%scan3A_111, %dma_wait3A_115] : memref<125x80xi32, #tpu.memory_space<vmem>> -> memref<1x80xi32, #tpu.memory_space<vmem>>
      %dma_wait3A_117 = tpu.memref_squeeze %dma_wait3A_116 : memref<1x80xi32, #tpu.memory_space<vmem>> -> memref<80xi32, #tpu.memory_space<vmem>>
      %dma_wait3A_118 = arith.constant 0 : i32
      %dma_wait3A_119 = tpu.memref_slice %arg10[%dma_wait3A_118] : memref<10000xf32, #tpu.memory_space<vmem_shared>> -> memref<10000xf32, #tpu.memory_space<vmem_shared>>
      tpu.wait_indirect_dma semaphore(%arg12 : memref<!tpu.dma_semaphore, #tpu.memory_space<semaphore_mem>>) src(%dma_wait3A_114 : memref<80xf32, #tpu.memory_space<vmem>>) dst(%dma_wait3A_119 : memref<10000xf32, #tpu.memory_space<vmem_shared>>)
    }
    %scan3A_104 = arith.constant 125 : i32
    %barrier3A_105 = arith.constant 0 : index
    tpu.barrier barrier_id(%barrier3A_105)
    %eq3A_106 = arith.constant 0 : i32
    %eq3A_107 = arith.cmpi eq, %arg1, %eq3A_106 : i32
    %convert_element_type3A_108 = arith.extui %eq3A_107 : i1 to i32
    %cond3A_109 = arith.constant 0 : i32
    %cond3A_110 = arith.cmpi ne, %convert_element_type3A_108, %cond3A_109 : i32
    scf.if %cond3A_110 {
      "tpu.region"() ({
        %run_scoped3A = tpu.sem_alloc : memref<!tpu.dma_semaphore, #tpu.memory_space<semaphore_mem>>
        %dma_start3A_111 = arith.constant 0 : i32
        %dma_start3A_112 = tpu.memref_slice %arg5[%arg0, %dma_start3A_111] : memref<2x10000xf32, #tpu.memory_space<hbm>> -> memref<1x10000xf32, #tpu.memory_space<hbm>>
        %dma_start3A_113 = tpu.memref_squeeze %dma_start3A_112 : memref<1x10000xf32, #tpu.memory_space<hbm>> -> memref<10000xf32, #tpu.memory_space<hbm>>
        tpu.enqueue_dma source(%arg10 : memref<10000xf32, #tpu.memory_space<vmem_shared>>) target(%dma_start3A_113 : memref<10000xf32, #tpu.memory_space<hbm>>) target_semaphore(%run_scoped3A : memref<!tpu.dma_semaphore, #tpu.memory_space<semaphore_mem>>)
        %dma_wait3A_114 = arith.constant 0 : i32
        %dma_wait3A_115 = tpu.memref_slice %arg5[%arg0, %dma_wait3A_114] : memref<2x10000xf32, #tpu.memory_space<hbm>> -> memref<1x10000xf32, #tpu.memory_space<hbm>>
        %dma_wait3A_116 = tpu.memref_squeeze %dma_wait3A_115 : memref<1x10000xf32, #tpu.memory_space<hbm>> -> memref<10000xf32, #tpu.memory_space<hbm>>
        tpu.wait_dma2 semaphore(%run_scoped3A : memref<!tpu.dma_semaphore, #tpu.memory_space<semaphore_mem>>) src(%arg10 : memref<10000xf32, #tpu.memory_space<vmem_shared>>) dst(%dma_wait3A_116 : memref<10000xf32, #tpu.memory_space<hbm>>)
        tpu.yield
      }) : () -> ()
    } else {
    }
    return
  }
}

module attributes {stable_mosaic.version = 14 : i64} {
  func.func @_rowsum_body(%arg0: i32, %arg1: memref<2048x128xf32, #tpu.memory_space<vmem>>, %arg2: memref<2048xf32, #tpu.memory_space<vmem>>) attributes {dimension_semantics = [#tpu.dimension_semantics<arbitrary>], iteration_bounds = array<i64: 5>, scalar_prefetch = 0 : i64, scratch_operands = 0 : i64, tpu.core_type = #tpu.core_type<tc>, window_params = [{transform_indices = @transform_0, window_bounds = array<i64: 2048, 128>}, {transform_indices = @transform_1, window_bounds = array<i64: 2048>}]} {
    %get3A = arith.constant 0 : index
    %get3A_0 = arith.constant 0 : index
    %get3A_1 = vector.load %arg1[%get3A, %get3A_0] : memref<2048x128xf32, #tpu.memory_space<vmem>>, vector<2048x128xf32>
    %transpose3A = tpu.transpose %get3A_1, [1, 0] : vector<2048x128xf32> -> vector<128x2048xf32>
    %reduce_sum3A = arith.constant dense<0.000000e+00> : vector<2048xf32>
    %reduce_sum3A_2 = vector.multi_reduction <add>, %transpose3A, %reduce_sum3A [0] : vector<128x2048xf32> to vector<2048xf32>
    %swap3A = arith.constant 0 : index
    %swap3A_3 = vector.load %arg2[%swap3A] : memref<2048xf32, #tpu.memory_space<vmem>>, vector<2048xf32>
    tpu.vector_store %arg2[%swap3A], %reduce_sum3A_2 {strides = array<i32>} : memref<2048xf32, #tpu.memory_space<vmem>>, vector<2048xf32>,
    return
  }
  func.func @transform_0(%arg0: i32) -> (i32, i32) {
    %c0_i32 = arith.constant 0 : i32
    %c0_i32_0 = arith.constant 0 : i32
    return %arg0, %c0_i32 : i32, i32
  }
  func.func @transform_1(%arg0: i32) -> i32 {
    %c0_i32 = arith.constant 0 : i32
    return %arg0 : i32
  }
}

module attributes {stable_mosaic.version = 14 : i64} {
  func.func @_final_body(%arg0: memref<2x10000xf32, #tpu.memory_space<vmem>>, %arg1: memref<10000xi32, #tpu.memory_space<vmem>>) attributes {dimension_semantics = [], scalar_prefetch = 0 : i64, scratch_operands = 0 : i64, tpu.core_type = #tpu.core_type<tc>} {
    %get3A = arith.constant 0 : index
    %get3A_0 = arith.constant 0 : index
    %get3A_1 = vector.load %arg0[%get3A, %get3A_0] : memref<2x10000xf32, #tpu.memory_space<vmem>>, vector<1x10000xf32>
    %get3A_2 = vector.shape_cast %get3A_1 : vector<1x10000xf32> to vector<10000xf32>
    %get3A_3 = arith.constant 1 : index
    %get3A_4 = arith.constant 0 : index
    %get3A_5 = vector.load %arg0[%get3A_3, %get3A_4] : memref<2x10000xf32, #tpu.memory_space<vmem>>, vector<1x10000xf32>
    %get3A_6 = vector.shape_cast %get3A_5 : vector<1x10000xf32> to vector<10000xf32>
    %add3A = arith.addf %get3A_2, %get3A_6 : vector<10000xf32>
    %gt3A = arith.constant 0.000000e+00 : f32
    %gt3A_7 = vector.broadcast %gt3A : f32 to vector<10000xf32>
    %gt3A_8 = arith.cmpf ogt, %add3A, %gt3A_7 : vector<10000xf32>
    %mul3A = arith.constant 1.000000e-01 : f32
    %mul3A_9 = vector.broadcast %mul3A : f32 to vector<10000xf32>
    %mul3A_10 = arith.mulf %mul3A_9, %add3A : vector<10000xf32>
    %select_n3A = arith.select %gt3A_8, %add3A, %mul3A_10 : vector<10000xi1>, vector<10000xf32>
    %mul3A_11 = arith.constant 1.600000e+01 : f32
    %mul3A_12 = vector.broadcast %mul3A_11 : f32 to vector<10000xf32>
    %mul3A_13 = arith.mulf %mul3A_12, %select_n3A : vector<10000xf32>
    %gt3A_14 = arith.constant 0.000000e+00 : f32
    %gt3A_15 = vector.broadcast %gt3A_14 : f32 to vector<10000xf32>
    %gt3A_16 = arith.cmpf ogt, %mul3A_13, %gt3A_15 : vector<10000xf32>
    %mul3A_17 = arith.constant 1.000000e-01 : f32
    %mul3A_18 = vector.broadcast %mul3A_17 : f32 to vector<10000xf32>
    %mul3A_19 = arith.mulf %mul3A_18, %mul3A_13 : vector<10000xf32>
    %select_n3A_20 = arith.select %gt3A_16, %mul3A_13, %mul3A_19 : vector<10000xi1>, vector<10000xf32>
    %mul3A_21 = arith.constant 1.000000e+01 : f32
    %mul3A_22 = vector.broadcast %mul3A_21 : f32 to vector<10000xf32>
    %mul3A_23 = arith.mulf %mul3A_22, %select_n3A_20 : vector<10000xf32>
    %convert_element_type3A = arith.fptosi %mul3A_23 : vector<10000xf32> to vector<10000xi32>
    %swap3A = arith.constant 0 : index
    %swap3A_24 = vector.load %arg1[%swap3A] : memref<10000xi32, #tpu.memory_space<vmem>>, vector<10000xi32>
    tpu.vector_store %arg1[%swap3A], %convert_element_type3A {strides = array<i32>} : memref<10000xi32, #tpu.memory_space<vmem>>, vector<10000xi32>,
    return
  }
}

</mosaic_0001>

<sc_bundles>
// kernel: kernel.5.cloned.1.call-start
scs
__scs_entry_jumppad:
0x0: {  	(pc) =	sbr.rel $0x88, $3  }
0x1: {  	(tag) =	ssettag $0x0;
	lr =	simm.s32 $0x1  }
0x2: {  	[smem:$0x3F9F] =	sst lr;
	_ =	strace $0xD0000000  }
0x3: {  	_ = 	snop  }
0x4: {  	_ = 	snop  }
0x5: {  	_ = 	snop  }
0x6: {  	_ = 	snop  }
0x7: {  	_ = 	snop  }
__scs_overlays_trampoline_lowered:
0x8: {  	[smem:$0x3FAE] =	sst s0  }
0x9: {  	[smem:$0x3FAF] =	sst s1  }
0xa: {  	[smem:$0x3FB0] =	sst s2  }
0xb: {  	[smem:$0x3FB1] =	sst s3  }
0xc: {  	[smem:$0x3FB2] =	sst s4  }
0xd: {  	[smem:$0x3FB3] =	sst s5  }
0xe: {  	[smem:$0x3FB4] =	sst s6  }
0xf: {  	[smem:$0x3FB5] =	sst s7  }
0x10: {  	[smem:$0x3FB6] =	sst s8  }
0x11: {  	[smem:$0x3FB7] =	sst s9;
	s0 =	simm.s32 @!p0 $0x0  }
0x12: {  	s1 =	sld [smem:$0x3F9D];
	s0 =	simm.s32 @p0 $0x1  }
0x13: {  	[smem:$0x3FB8] =	sst s0;
	s0 =	simm.s32 @!p1 $0x0  }
0x14: {  	s2 =	sld [smem:$0x3F9C];
	s0 =	simm.s32 @p1 $0x1  }
0x15: {  	[smem:$0x3FB9] =	sst s0;
	s0 =	simm.s32 @!p2 $0x0  }
0x16: {  	s3 =	sld [smem:$0x3FDB];
	s0 =	simm.s32 @p2 $0x1  }
0x17: {  	s4 =	simm.s32 $0x1BF5;
	[smem:$0x3FBB] =	sst s0  }
0x18: {  	s0 =	sld [smem:$0x3F9E];
	_ =	swait.ge [sflag:s4], $0x0  }
0x19: {  	s7 =	sld [smem:$0x3F9F]  }
0x1a: {  	s8 =	sadd.s32 $0xFFFFE003, lr  }
0x1b: {  	s9 =	sadd.s32 $0xFFFFFEF7, lr;
	s5 =	simm.s32 $0xFFFFFFFF;
	p2 =	slt.u32 s8, $0xFFFFF086  }
0x1c: {  	p1 =	slt.u32 s9, $0xF7A;
	s5 =	simm.s32 @!p2 $0x0  }
0x1d: {  	s5 =	simm.s32 @p1 $0x1;
	p0 =	seq.s32 s7, s2  }
0x1e: {  	s7 =	smul.u32 @!p0 $0xF7A, s2;
	p2 =	seq.s32 @!p0 s5, $0x0  }
0x1f: {  	s9 =	smul.u32 $0xF7A, s1;
	s8 =	simm.s32 @!p0 $0x1BF5;
	p2 =	por !p2, p0  }
0x20: {  	[sflag:s8] =	ssyncset.s32 @!p0 $0xFFFFF086;
	s6 =	sadd.s32 @!p0 s3, s7;
	s7 =	simm.s32 @!p0 $0x108  }
0x21: {  	s3 =	sadd.s32 s3, s9;
	s6 =	sadd.s32 @!p0 $0x88, s6;
	s7 =	simm.s32 @p2 $0x1082  }
0x22: {  	[simem:s7], [sflag:s8] =	dma.local @!p0 [hbm:s6], $0xF7A  }
0x23: {  	s9 =	sor.u32 $0xD0000000, s2;
	s6 =	simm.s32 $0x108;
	_ =	swait.ge @!p0 [sflag:s8], $0x0  }
0x24: {  	s3 =	sadd.s32 $0x88, s3;
	s6 =	simm.s32 @!p1 $0x1082;
	[sflag:s4] =	ssyncset.s32 $0xFFFFF086  }
0x25: {  	[simem:s6], [sflag:s4] =	dma.local [hbm:s3], $0xF7A  }
0x26: {  	[smem:$0x3F9F] =	sst s1;
	(tag) =	ssettag s2;
	_ =	strace s9  }
0x27: {  	s1 =	sld [smem:$0x3FAF]  }
0x28: {  	s2 =	sld [smem:$0x3FB0]  }
0x29: {  	s4 =	sld [smem:$0x3FB2]  }
0x2a: {  	p0 =	seq.s32 s5, $0x0;
	s5 =	sld [smem:$0x3FB3]  }
0x2b: {  	s6 =	sld [smem:$0x3FB4]  }
0x2c: {  	s7 =	sld [smem:$0x3FB5]  }
0x2d: {  	s3 =	simm.s32 $0x108;
	s8 =	sld [smem:$0x3FB6]  }
0x2e: {  	s3 =	simm.s32 @!p0 $0x1082;
	s9 =	sld [smem:$0x3FB7]  }
0x2f: {  	lr =	sadd.s32 s0, s3;
	s0 =	sld [smem:$0x3FAE]  }
0x30: {  	s3 =	sld [smem:$0x3FB1]  }
0x31: {  	[smem:$0x3FBA] =	sst s10  }
0x32: {  	s10 =	sld [smem:$0x3FB8];
	_ =	sdelay $0x3  }
0x33: {  	p0 =	seq.s32 s10, $0x1;
	s10 =	sld [smem:$0x3FBA];
	_ =	sdelay $0x3  }
0x34: {  	[smem:$0x3FBA] =	sst s10  }
0x35: {  	s10 =	sld [smem:$0x3FB9];
	_ =	sdelay $0x3  }
0x36: {  	p1 =	seq.s32 s10, $0x1;
	s10 =	sld [smem:$0x3FBA];
	_ =	sdelay $0x3  }
0x37: {  	[smem:$0x3FBA] =	sst s10  }
0x38: {  	s10 =	sld [smem:$0x3FBB]  }
0x39: {  	_ = 	snop;
	(pc) =	sbr.ind lr, $3  }
0x3a: {  	_ = 	snop  }
0x3b: {  	_ = 	snop  }
0x3c: {  	p2 =	seq.s32 s10, $0x1;
	s10 =	sld [smem:$0x3FBA]  }
0x3d: {  	_ =	shalt  }
0x3e: {  	_ =	shalt  }
0x3f: {  	_ =	shalt  }
0x40: {  	_ =	shalt  }
0x41: {  	_ =	shalt  }
0x42: {  	_ =	shalt  }
0x43: {  	_ =	shalt  }
0x44: {  	_ =	shalt  }
0x45: {  	_ =	shalt  }
0x46: {  	_ =	shalt  }
0x47: {  	_ =	shalt  }
0x48: {  	_ =	shalt  }
0x49: {  	_ =	shalt  }
0x4a: {  	_ =	shalt  }
0x4b: {  	_ =	shalt  }
0x4c: {  	_ =	shalt  }
0x4d: {  	_ =	shalt  }
0x4e: {  	_ =	shalt  }
0x4f: {  	_ =	shalt  }
0x50: {  	_ =	shalt  }
0x51: {  	_ =	shalt  }
0x52: {  	_ =	shalt  }
0x53: {  	_ =	shalt  }
0x54: {  	_ =	shalt  }
0x55: {  	_ =	shalt  }
0x56: {  	_ =	shalt  }
0x57: {  	_ =	shalt  }
0x58: {  	_ =	shalt  }
0x59: {  	_ =	shalt  }
0x5a: {  	_ =	shalt  }
0x5b: {  	_ =	shalt  }
0x5c: {  	_ =	shalt  }
0x5d: {  	_ =	shalt  }
0x5e: {  	_ =	shalt  }
0x5f: {  	_ =	shalt  }
0x60: {  	_ =	shalt  }
0x61: {  	_ =	shalt  }
0x62: {  	_ =	shalt  }
0x63: {  	_ =	shalt  }
0x64: {  	_ =	shalt  }
0x65: {  	_ =	shalt  }
0x66: {  	_ =	shalt  }
0x67: {  	_ =	shalt  }
0x68: {  	_ =	shalt  }
0x69: {  	_ =	shalt  }
0x6a: {  	_ =	shalt  }
0x6b: {  	_ =	shalt  }
0x6c: {  	_ =	shalt  }
0x6d: {  	_ =	shalt  }
0x6e: {  	_ =	shalt  }
0x6f: {  	_ =	shalt  }
0x70: {  	_ =	shalt  }
0x71: {  	_ =	shalt  }
0x72: {  	_ =	shalt  }
0x73: {  	_ =	shalt  }
0x74: {  	_ =	shalt  }
0x75: {  	_ =	shalt  }
0x76: {  	_ =	shalt  }
0x77: {  	_ =	shalt  }
0x78: {  	_ =	shalt  }
0x79: {  	_ =	shalt  }
0x7a: {  	_ =	shalt  }
0x7b: {  	_ =	shalt  }
0x7c: {  	_ =	shalt  }
0x7d: {  	_ =	shalt  }
0x7e: {  	_ =	shalt  }
0x7f: {  	_ =	shalt  }
0x80: {  	_ =	shalt  }
0x81: {  	_ =	shalt  }
0x82: {  	_ =	shalt  }
0x83: {  	_ =	shalt  }
0x84: {  	_ =	shalt  }
0x85: {  	_ =	shalt  }
0x86: {  	_ =	shalt  }
0x87: {  	_ =	shalt  }
.Lfunc_end0:
.L_simem_size_0:
called_computation_lowered:
.L_overlay_start_0:
0x88: {  	s2 =	sld [smem:$0x3FD9]  }
0x89: {  	s3 =	sld [smem:$0x3FFE];
	_ =	sdelay $0x1  }
0x8a: {  	s1 =	srdreg.scid  }
0x8b: {  	s0 =	sand.u32 $0x1, s1  }
0x8c: {  	s17 =	sshll.u32 s0, $0xA;
	s2 =	sadd.s32 s3, s2  }
0x8d: {  	s2 =	sadd.s32 s2, s17  }
0x8e: {  	[smem:$0x3FC6] =	sst s2  }
0x8f: {  	_ = 	snop  }
0x90: {  	s2 =	sld [smem:$0x3FD0];
	(tm) =	ssettm $0x1  }
0x91: {  	s18 =	sld [smem:$0x3FFB];
	_ =	sdelay $0x3  }
0x92: {  	_ =	strace s18  }
0x93: {  	s3 =	sld [smem:$0x3FFC];
	_ =	sdelay $0x3  }
0x94: {  	_ =	strace s3  }
0x95: {  	s3 =	sld [smem:$0x3FFD];
	_ =	sdelay $0x3  }
0x96: {  	_ =	strace s3  }
0x97: {  	_ =	strace $0x8FFFFFFF  }
0x98: {  	s19 =	sld [smem:$0x3FDB];
	_ =	sdelay $0x1  }
0x99: {  	s4 =	simm.s32 $_scs_section_size  }
0x9a: {  	s5 =	simm.s32 $_size__tile_overlayer_lowered;
	s6 =	simm.s32 $_tile_overlayer_lowered  }
0x9b: {  	s22 =	simm.s32 $0x1BFF;
	s21 =	sshll.u32 s6, $0x1;
	s3 =	sadd.s32 s4, s19  }
0x9c: {  	s7 =	simm.s32 $0x0;
	s20 =	sshll.u32 s5, $0x1;
	s5 =	sadd.s32 s21, s3  }
0x9d: {  	[timem:s7], [sflag:s22] =	dma.local [hbm:s5], s20  }
0x9e: {  	_ =	swait.ge [sflag:s22], s20  }
0x9f: {  	s4 =	ssub.s32 $0x0, s20;
	[sflag:s22] =	ssyncset.done $0x0  }
0xa0: {  	[sflag:s22] =	ssyncadd.s32 s4;
	_ =	sdelay $0x1  }
0xa1: {  	s23 =	simm.s32 $0x1B8B  }
0xa2: {  	_ =	swait.ge [sflag:s23], $0x1  }
0xa3: {  	[sflag:s23] =	ssyncset.done $0x0  }
0xa4: {  	s25 =	simm.s32 $0x1B8E;
	s24 =	sld [smem:$0x3FFE];
	[sflag:s23] =	ssyncadd.s32 $0xFFFFFFFF  }
0xa5: {  	s26 =	simm.s32 $execute0_lowered;
	[smem:$0x3FD2] =	sst s25  }
0xa6: {  	s5 =	sshll.u32 s26, $0x1;
	_ =	strace $0x80000046;
	[dreg:$0x1] =	wrdreg $0xFFFFFFFF  }
0xa7: {  	s28 =	simm.s32 $_size_execute0_lowered;
	s3 =	sadd.s32 s3, s5;
	[dreg:$0x0] =	wrdreg $0x0  }
0xa8: {  	s5 =	sshll.u32 s28, $0x1;
	[dreg:$0x2] =	wrdreg s3  }
0xa9: {  	[dreg:$0x3] =	wrdreg s5  }
0xaa: {  	[dreg:$0x4] =	wrdreg $0xC0  }
0xab: {  	_ =	task [dreg:s7], $0x5FFFF  }
0xac: {  	[dreg:$0x1] =	wrdreg $0xFFFFFFFF  }
0xad: {  	[dreg:$0x0] =	wrdreg $0x60  }
0xae: {  	[dreg:$0x2] =	wrdreg s2  }
0xaf: {  	[dreg:$0x3] =	wrdreg s24  }
0xb0: {  	[dreg:$0x4] =	wrdreg $0xCF800  }
0xb1: {  	[dreg:$0x5] =	wrdreg $0x9  }
0xb2: {  	_ =	task.clear_ibuf [dreg:s7], $0x6FFFF;
	_ =	strace $0x90000046  }
0xb3: {  	s29 =	simm.s32 $0x9;
	_ =	strace $0x80000048  }
0xb4: {  	_ =	swait.ge [sflag:s29], $0x1  }
0xb5: {  	[sflag:s29] =	ssyncadd.s32 $0xFFFFFFFF  }
0xb6: {  	_ =	strace $0x90000048  }
0xb7: {  	_ =	sfence  }
0xb8: {  	s30 =	sld [smem:$0x0];
	_ =	sdelay $0x2  }
0xb9: {  	s31 =	sshll.u32 s1, $0xD;
	s1 =	sshrl.u32 s1, $0x2  }
0xba: {  	s3 =	sand.u32 $0x4000, s31;
	s1 =	sadd.s32 s1, s30  }
0xbb: {  	s0 =	sor.u32 s3, s0;
	s1 =	sshll.u32 s1, $0x11  }
0xbc: {  	s0 =	sor.u32 s1, s0  }
0xbd: {  	s0 =	sadd.s32 $0x8F2B, s0  }
0xbe: {  	[sflag:s0] =	ssyncadd.remote.s32 $0x1  }
0xbf: {  	_ =	sfence.sel $0xFFFF  }
0xc0: {  	[dreg:$0x0] =	wrdreg $0xFFFFFFFF;
	(pc) =	sbr.abs _section_cstart, $3  }
0xc1: {  	[dreg:$0x1] =	wrdreg $0xFFFFFFFF  }
0xc2: {  	_ =	task.clear_ibuf [dreg:s7], $0x2FFFF;
	_ =	strace $0x9FFFFFFF  }
0xc3: {  	(tm) =	ssettm $0x7FFFFFFF  }
tec
execute0_lowered:
.L_overlay_start_1:
0x0: {  	(tag) =	ssettag $0x1  }
0x1: {  	s1 =	rddreg [dreg:$0x0]  }
0x2: {  	s5 =	rddreg [dreg:$0x1]  }
0x3: {  	s2 =	rddreg [dreg:$0x2];
	s3 =	srdreg.scid  }
0x4: {  	s0 =	rddreg [dreg:$0x3];
	s8 =	stileid.u32  }
0x5: {  	s12 =	simm.s32 $0x50;
	s13 =	simm.s32 $0x7E00;
	s14 =	simm.s32 $0xA6C0  }
0x6: {  	s15 =	simm.s32 $0x2;
	s16 =	simm.s32 $0x0;
	s6 =	sand.u32 $0x1, s3  }
0x7: {  	s3 =	simm.s32 $0x0;
	s4 =	sshll.u32 s8, $0xC;
	p0 =	sne.s32 s8, $0x0  }
0x8: {  	s7 =	sshll.u32 s6, $0xB;
	[smem:$0x7FF] =	sst s3;
	s9 =	ssub.s32 $0x2, s6  }
0x9: {  	s6 =	sshll.u32 s6, $0x4;
	s4 =	sor.u32 s7, s4;
	_ =	strace $0x80000047  }
0xa: {  	s10 =	sshrl.u32 s9, $0x1;
	s11 =	sadd.s32 s6, s5;
	s7 =	sadd.s32 s4, s5  }
0xb: {  	s4 =	sadd.s32 $0x20C00, s5;
	s9 =	ssub.s32 s9, s10;
	s10 =	simm.s32 $0xA780  }
0xc: {  	s5 =	sadd.s32 $0xC00, s7;
	s6 =	sadd.s32 $0x10C00, s7;
	s7 =	sadd.s32 $0x21200, s11  }
0xd: {  	s8 =	smax.u32 s9, $0x1;
	s9 =	sshrl.u32 @!p0 s2, $0x3;
	s11 =	simm.s32 $0x1  }
.LBB2_1:
0xe: {  	s17 =	simm.s32 @!p0 $0x1C03  }
0xf: {  	[spmem:s9], [sflag:s17] =	dma.local @!p0 [hbm:s4], $0x4F0  }
0x10: {  	s17 =	simm.s32 @!p0 $0x3  }
0x11: {  	_ =	swait.ge @!p0 [sflag:s17], $0x4F0  }
0x12: {  	[sflag:s17] =	ssyncset.done @!p0 $0x0  }
0x13: {  	[sflag:s17] =	ssyncadd.s32 @!p0 $0xFFFFFB10  }
0x14: {  	[tilespmem:s3], [sflag:$0x1] =	stream.linear.gather [hbm4b:s5+s3], $0x3E80, $0x38;
	[tilespmem:$0xD1F8] =	vst v63  }
0x15: {  	s17 =	simm.s32 $0x4000  }
0x16: {  	[tilespmem:s17], [sflag:$0x1] =	stream.linear.gather [hbm4b:s6+s3], $0x3E80, $0x38;
	[tilespmem:$0xD1F8] =	vst v63  }
0x17: {  	_ = 	snop  }
0x18: {  	[tilespmem:s10], [sflag:$0x1] =	stream.linear.gather [hbm4b:s1+s3], $0x2800, $0x38;
	[tilespmem:$0xD1F8] =	vst v63  }
0x19: {  	_ =	swait.ge [sflag:s11], $0x3E80  }
0x1a: {  	[sflag:s11] =	ssyncset.done $0x0  }
0x1b: {  	[sflag:s11] =	ssyncadd.s32 $0xFFFFC180  }
0x1c: {  	_ =	swait.ge [sflag:s11], $0x3E80  }
0x1d: {  	[sflag:s11] =	ssyncset.done $0x0  }
0x1e: {  	[sflag:s11] =	ssyncadd.s32 $0xFFFFC180  }
0x1f: {  	_ =	swait.ge [sflag:s11], $0x2800  }
0x20: {  	[sflag:s11] =	ssyncset.done $0x0  }
0x21: {  	s18 =	simm.s32 $0xFFFFFFFE;
	[sflag:s11] =	ssyncadd.s32 $0xFFFFD800  }
0x22: {  	s19 =	simm.s32 $0x8050;
	s20 =	simm.s32 $0x80;
	[bflag:$0x0] =	sbarrier.arrive $0xFFFF  }
.LBB2_2:
0x23: {  	v0 =	vld [tilespmem:s20+$0xFFFFFF80];
	_ =	sdelay $0x7  }
0x24: {  	v0 =	vld.idx.msk [tilespmem:v0+s10+$0x0], $0xffff;
	_ =	sdelay $0x4  }
0x25: {  	[tilespmem:s19+$0xFFFFFFB0] =	vst v0  }
0x26: {  	v0 =	vld [tilespmem:s20+$0xFFFFFF90];
	_ =	sdelay $0x7  }
0x27: {  	v0 =	vld.idx.msk [tilespmem:v0+s10+$0x0], $0xffff;
	_ =	sdelay $0x4  }
0x28: {  	[tilespmem:s19+$0xFFFFFFC0] =	vst v0  }
0x29: {  	v0 =	vld [tilespmem:s20+$0xFFFFFFA0];
	_ =	sdelay $0x7  }
0x2a: {  	v0 =	vld.idx.msk [tilespmem:v0+s10+$0x0], $0xffff;
	_ =	sdelay $0x4  }
0x2b: {  	[tilespmem:s19+$0xFFFFFFD0] =	vst v0  }
0x2c: {  	v0 =	vld [tilespmem:s20+$0xFFFFFFB0];
	_ =	sdelay $0x7  }
0x2d: {  	v0 =	vld.idx.msk [tilespmem:v0+s10+$0x0], $0xffff;
	_ =	sdelay $0x4  }
0x2e: {  	[tilespmem:s19+$0xFFFFFFE0] =	vst v0  }
0x2f: {  	v0 =	vld [tilespmem:s20+$0xFFFFFFC0];
	_ =	sdelay $0x7  }
0x30: {  	v0 =	vld.idx.msk [tilespmem:v0+s10+$0x0], $0xffff;
	_ =	sdelay $0x4  }
0x31: {  	s21 =	sadd.s32 $0xFFFFFFB0, s19;
	[tilespmem:s19+$0xFFFFFFF0] =	vst v0  }
0x32: {  	[spmem:s2] =	stream.indirect.scatter.add.f32 [tilespmem:s21], [sflag:$0x2], $0x1, s17, s12, $0xb8;
	[tilespmem:$0xD1F8] =	vst v63  }
0x33: {  	v0 =	vld [tilespmem:s20+$0x0];
	_ =	sdelay $0x7  }
0x34: {  	v0 =	vld.idx.msk [tilespmem:v0+s10+$0x0], $0xffff;
	_ =	sdelay $0x4  }
0x35: {  	[tilespmem:s19+$0x0] =	vst v0  }
0x36: {  	v0 =	vld [tilespmem:s20+$0x10];
	_ =	sdelay $0x7  }
0x37: {  	v0 =	vld.idx.msk [tilespmem:v0+s10+$0x0], $0xffff;
	_ =	sdelay $0x4  }
0x38: {  	[tilespmem:s19+$0x10] =	vst v0  }
0x39: {  	v0 =	vld [tilespmem:s20+$0x20];
	_ =	sdelay $0x7  }
0x3a: {  	v0 =	vld.idx.msk [tilespmem:v0+s10+$0x0], $0xffff;
	_ =	sdelay $0x4  }
0x3b: {  	[tilespmem:s19+$0x20] =	vst v0  }
0x3c: {  	v0 =	vld [tilespmem:s20+$0x30];
	_ =	sdelay $0x7  }
0x3d: {  	v0 =	vld.idx.msk [tilespmem:v0+s10+$0x0], $0xffff;
	_ =	sdelay $0x4  }
0x3e: {  	[tilespmem:s19+$0x30] =	vst v0  }
0x3f: {  	v0 =	vld [tilespmem:s20+$0x40];
	_ =	sdelay $0x7  }
0x40: {  	v0 =	vld.idx.msk [tilespmem:v0+s10+$0x0], $0xffff  }
0x41: {  	s18 =	sadd.s32 $0x2, s18  }
0x42: {  	p1 =	slt.u32 s18, $0x7A  }
.Ltmp0:
0x43: {  	_ = 	snop;
	(pc) =	sbr.rel @p1 .LBB2_2-.Ltmp0, $4  }
0x44: {  	_ = 	snop  }
0x45: {  	s31 =	sadd.s32 $0x80, s17;
	[tilespmem:s19+$0x40] =	vst v0  }
0x46: {  	[spmem:s2] =	stream.indirect.scatter.add.f32 [tilespmem:s19], [sflag:$0x2], $0x1, s31, s12, $0xb8;
	[tilespmem:$0xD1F8] =	vst v63  }
0x47: {  	s17 =	sadd.s32 $0x100, s17;
	s20 =	sadd.s32 $0x100, s20;
	s19 =	sadd.s32 $0xA0, s19  }
0x48: {  	v0 =	vld [tilespmem:$0x3E00];
	_ =	sdelay $0x5  }
0x49: {  	v1 =	vld [tilespmem:$0x3E10];
	_ =	sdelay $0x1  }
0x4a: {  	v0 =	vld.idx.msk [tilespmem:v0+s10+$0x0], $0xffff;
	_ =	sdelay $0x3  }
0x4b: {  	v2 =	vld [tilespmem:$0x3E20]  }
0x4c: {  	[tilespmem:$0xA6C0] =	vst v0  }
0x4d: {  	v0 =	vld.idx.msk [tilespmem:v1+s10+$0x0], $0xffff;
	_ =	sdelay $0x3  }
0x4e: {  	v62 =	vld [tilespmem:$0x3E30]  }
0x4f: {  	[tilespmem:$0xA6D0] =	vst v0  }
0x50: {  	v0 =	vld.idx.msk [tilespmem:v2+s10+$0x0], $0xffff;
	_ =	sdelay $0x3  }
0x51: {  	v63 =	vld [tilespmem:$0x3E40]  }
0x52: {  	[tilespmem:$0xA6E0] =	vst v0  }
0x53: {  	v0 =	vld.idx.msk [tilespmem:v62+s10+$0x0], $0xffff;
	_ =	sdelay $0x4  }
0x54: {  	[tilespmem:$0xA6F0] =	vst v0  }
0x55: {  	v0 =	vld.idx.msk [tilespmem:v63+s10+$0x0], $0xffff;
	_ =	sdelay $0x4  }
0x56: {  	[tilespmem:$0xA700] =	vst v0  }
0x57: {  	[spmem:s2] =	stream.indirect.scatter.add.f32 [tilespmem:s14], [sflag:$0x2], $0x1, s13, s12, $0xb8;
	[tilespmem:$0xD1F8] =	vst v63  }
0x58: {  	_ =	swait.ge [sflag:s15], $0x50  }
0x59: {  	s17 =	simm.s32 $0x7C;
	[sflag:s15] =	ssyncset.done $0x0  }
.LBB2_4:
0x5a: {  	p1 =	sne.s32 s17, $0x1;
	s17 =	sadd.s32 $0xFFFFFFFF, s17;
	[sflag:s15] =	ssyncadd.s32 $0xFFFFFFB0  }
.Ltmp1:
0x5b: {  	(pc) =	sbr.rel @p1 .LBB2_4-.Ltmp1, $3  }
0x5c: {  	_ =	sdelay $0x1  }
0x5d: {  	_ =	swait.ge [sflag:s15], $0x50  }
0x5e: {  	[sflag:s15] =	ssyncset.done $0x0  }
0x5f: {  	[sflag:s15] =	ssyncadd.s32 $0xFFFFFFB0;
	s17 =	simm.s32 @!p0 $0x1  }
0x60: {  	s18 =	simm.s32 @!p0 $0x20;
	s19 =	simm.s32 @!p0 $0x10;
	s16 =	sadd.s32 $0x1, s16  }
0x61: {  	s20 =	simm.s32 @!p0 $0x1C03;
	[bflag:$0x0] =	sbarrier.arrive $0xFFFF;
	p1 =	sne.s32 s16, s8  }
0x62: {  	[hbm:s7@s18], [sflag:s20] =	dma.strided @!p0 [spmem:s9@s19], $0x4F0, s17, $0x10   }
.Ltmp2:
0x63: {  	_ = 	snop;
	(pc) =	sbr.rel @p1 .LBB2_1-.Ltmp2, $4  }
0x64: {  	s17 =	simm.s32 @!p0 $0x3  }
0x65: {  	_ =	swait.ge @!p0 [sflag:s17], $0x4F0  }
0x66: {  	[sflag:s17] =	ssyncset.done @!p0 $0x0  }
0x67: {  	[sflag:s17] =	ssyncadd.s32 @!p0 $0xFFFFFB10  }
0x68: {  	_ =	sfence.sel $0x180000  }
0x69: {  	[bflag:$0x0] =	sbarrier.arrive $0xFFFF  }
0x6a: {  	_ =	strace $0x90000047  }
0x6b: {  	s0 =	sadd.s32 @!p0 $0x100000, s0;
	[bflag:$0x2] =	sbarrier.arrive $0xFFFF  }
0x6c: {  	[sflag:s0] =	ssyncadd.tile.s32 @!p0 $0x1;
	_ =	shalt  }
.Lfunc_end2:
_tile_overlayer_lowered:
.L_overlay_start_2:
0x6d: {  	(tag) =	ssettag $0x2  }
0x6e: {  	s0 =	rddreg [dreg:$0x0];
	s2 =	stileid.u32  }
0x6f: {  	s1 =	rddreg [dreg:$0x1];
	p0 =	sne.s32 s2, $0x0  }
0x70: {  	s3 =	rddreg [dreg:$0x2];
	[bflag:$0x3] =	sbarrier.arrive $0xFFFF;
	s2 =	simm.s32 @!p0 $0x1C03  }
0x71: {  	[timem:s3], [sflag:s2] =	dma.local @!p0 [hbm:s0], s1  }
0x72: {  	s0 =	simm.s32 @!p0 $0x3  }
0x73: {  	_ =	swait.ge @!p0 [sflag:s0], s1  }
0x74: {  	s1 =	ssub.s32 @!p0 $0x0, s1;
	[sflag:s0] =	ssyncset.done @!p0 $0x0  }
0x75: {  	[sflag:s0] =	ssyncadd.s32 @!p0 s1  }
0x76: {  	[bflag:$0x3] =	sbarrier.arrive $0xFFFF  }
0x77: {  	_ =	shalt  }

</sc_bundles>
